<compile_context>
chip_gen: v7x
topology: tpu7x:2x2x1
jax: 0.10.2.dev20260603
libtpu: 0.0.44.dev20260713+nightly
codegen_flags: <defaults>
</compile_context>

<pallas_src>
import functools

import jax
import jax.numpy as jnp
from jax import lax
from jax.experimental import pallas as pl
from jax.experimental.pallas import tpu as pltpu
from jax.experimental.pallas import tpu_sc as plsc

VOCAB = 1000000
EMB = 64
BATCH = 4096
HIST = 200

TBLK = 16384
NBLK_A = 31
SPLIT = NBLK_A * TBLK
NBLK_B_LAST = 30
VOCAB_RM = 2 * SPLIT

NUM_CORES = 2
NUM_SUBCORES = 16
NUM_WORKERS = NUM_CORES * NUM_SUBCORES
B_PER_W = BATCH // NUM_WORKERS
C0 = 104
C1 = HIST - C0

_LANES = 16
_NV = EMB // _LANES


def _pack_body(ta_ref, tb_ref, out_ref):
    a = ta_ref[...].T
    b = tb_ref[...].T
    out_ref[...] = jnp.concatenate([a, b], axis=1)


def _pack_tc(tab_t):
    return pl.pallas_call(
        _pack_body,
        grid=(NBLK_A,),
        in_specs=[
            pl.BlockSpec((EMB, TBLK), lambda c: (0, c)),
            pl.BlockSpec((EMB, TBLK),
                         lambda c: (0, NBLK_A + jnp.minimum(c, NBLK_B_LAST))),
        ],
        out_specs=pl.BlockSpec((TBLK, 128), lambda c: (c, 0)),
        out_shape=jax.ShapeDtypeStruct((SPLIT, 128), jnp.float32),
    )(tab_t, tab_t)


def _accum_chunk(rows_ref, n, acc):

    def body(j, acc):
        return tuple(
            acc[d] + rows_ref[j, pl.ds(d * _LANES, _LANES)] for d in range(_NV)
        )

    return lax.fori_loop(0, n, body, acc)


def _bow_body(idx_hbm, table_hbm, out_hbm,
              idx_v, ra0, rb0, ra1, rb1, out_v, sem0, sem1):
    wid = lax.axis_index("s") * NUM_CORES + lax.axis_index("c")
    base = pl.multiple_of(wid * B_PER_W, 8)

    pltpu.sync_copy(idx_hbm.at[pl.ds(base * HIST, B_PER_W * HIST)], idx_v)

    def row_copies(b, ra, rb, sem):
        off = pl.multiple_of(b * HIST, 8)
        cp_a = pltpu.make_async_copy(
            table_hbm.at[idx_v.at[pl.ds(off, C0)]], ra, sem)
        cp_b = pltpu.make_async_copy(
            table_hbm.at[idx_v.at[pl.ds(off + C0, C1)]], rb, sem)
        return cp_a, cp_b

    def start_row(b, ra, rb, sem):
        cp_a, cp_b = row_copies(b, ra, rb, sem)
        cp_a.start()
        cp_b.start()

    def finish_row(b, ra, rb, sem):
        cp_a, cp_b = row_copies(b, ra, rb, sem)
        cp_a.wait()
        cp_b.wait()
        acc = tuple(jnp.zeros((_LANES,), jnp.float32) for _ in range(_NV))
        acc = _accum_chunk(ra, C0, acc)
        acc = _accum_chunk(rb, C1, acc)
        for d in range(_NV):
            out_v[b, pl.ds(d * _LANES, _LANES)] = acc[d]

    start_row(0, ra0, rb0, sem0)

    def outer(i, carry):
        b = i * 2
        start_row(b + 1, ra1, rb1, sem1)
        finish_row(b, ra0, rb0, sem0)

        @pl.when(b + 2 < B_PER_W)
        def _():
            start_row(b + 2, ra0, rb0, sem0)

        finish_row(b + 1, ra1, rb1, sem1)
        return carry

    lax.fori_loop(0, B_PER_W // 2, outer, 0)

    pltpu.sync_copy(out_v, out_hbm.at[pl.ds(base, B_PER_W)])


@jax.jit
def _bow(idx_flat, table_rm):
    mesh = plsc.VectorSubcoreMesh(core_axis_name="c", subcore_axis_name="s")
    run = functools.partial(
        pl.kernel,
        mesh=mesh,
        compiler_params=pltpu.CompilerParams(use_tc_tiling_on_sc=False),
        out_type=jax.ShapeDtypeStruct((BATCH, EMB), jnp.float32),
        scratch_types=[
            pltpu.VMEM((B_PER_W * HIST,), jnp.int32),
            pltpu.VMEM((C0, EMB), jnp.float32),
            pltpu.VMEM((C1, EMB), jnp.float32),
            pltpu.VMEM((C0, EMB), jnp.float32),
            pltpu.VMEM((C1, EMB), jnp.float32),
            pltpu.VMEM((B_PER_W, EMB), jnp.float32),
            pltpu.SemaphoreType.DMA,
            pltpu.SemaphoreType.DMA,
        ],
    )(_bow_body)
    return run(idx_flat, table_rm)


def kernel(indices, table):
    idx32 = indices.astype(jnp.int32)
    ridx = jnp.where(idx32 < SPLIT, 2 * idx32, 2 * (idx32 - SPLIT) + 1)
    packed = _pack_tc(table.T)
    table_rm = packed.reshape(VOCAB_RM, EMB)
    return _bow(ridx.reshape(-1), table_rm)

# --- scband reference (transcript-rebuilt; emitter-appended) ---
"""Pipeline reference for scband-bow-encoder-17386027614925 (READ-ONLY COPY).

The authoritative reference and input builder live on the scoring server;
editing this copy changes nothing except your own understanding.
"""

import jax, jax.numpy as jnp
import numpy as np

VOCAB = 1000000
EMB_DIM = 64
BATCH = 4096
HIST = 200

def setup_inputs(seed: int = 0) -> dict:
    key = jax.random.key(seed)
    k1, k2 = jax.random.split(key)
    indices = jax.random.randint(k1, (BATCH, HIST), 0, VOCAB, dtype=jnp.int64 if jax.config.jax_enable_x64 else jnp.int32)
    table = jax.random.normal(k2, (VOCAB, EMB_DIM), dtype=jnp.float32) * 0.02
    return {"indices": indices, "table": table}

def reference(indices, table):
    # embedder: embedding lookup -> [B, L, emb_dim]
    embeddings = jnp.take(table, indices, axis=0)
    # dropout_value = 0.0 -> identity
    # aggregation_type = 'sum' -> sum over the sequence (word) dimension
    out = jnp.sum(embeddings, axis=1)
    return out

if __name__ == "__main__":
    import jax
    _d = setup_inputs()
    print(jax.jit(kernel)(*tuple(_d.values())))

</pallas_src>

<mosaic_0001>
#map = affine_map<(d0, d1) -> (0)>
#map1 = affine_map<(d0, d1) -> (0, 0)>
module attributes {stable_mosaic.version = 14 : i64} {
  func.func @_bow_body(%arg0: i32, %arg1: i32, %arg2: memref<819200xi32, #tpu.memory_space<hbm>>, %arg3: memref<1015808x64xf32, #tpu.memory_space<hbm>>, %arg4: memref<4096x64xf32, #tpu.memory_space<hbm>>, %arg5: memref<25600xi32, #tpu.memory_space<vmem>>, %arg6: memref<104x64xf32, #tpu.memory_space<vmem>>, %arg7: memref<96x64xf32, #tpu.memory_space<vmem>>, %arg8: memref<104x64xf32, #tpu.memory_space<vmem>>, %arg9: memref<96x64xf32, #tpu.memory_space<vmem>>, %arg10: memref<128x64xf32, #tpu.memory_space<vmem>>, %arg11: memref<!tpu.dma_semaphore, #tpu.memory_space<semaphore_mem>>, %arg12: memref<!tpu.dma_semaphore, #tpu.memory_space<semaphore_mem>>) attributes {dimension_semantics = [#tpu.dimension_semantics<core_parallel>, #tpu.dimension_semantics<subcore_parallel>], iteration_bounds = array<i64: 2, 16>, scalar_prefetch = 0 : i64, scratch_operands = 8 : i64, tpu.core_type = #tpu.core_type<sc_vector_subcore>, window_params = [{transform_indices = #map}, {transform_indices = #map1}, {transform_indices = #map1}]} {
    %mul3A = arith.constant 2 : i32
    %mul3A_0 = arith.muli %arg1, %mul3A : i32
    %add3A = arith.addi %mul3A_0, %arg0 : i32
    %mul3A_1 = arith.constant 128 : i32
    %mul3A_2 = arith.muli %add3A, %mul3A_1 : i32
    %multiple_of3A = tpu.assume_multiple %mul3A_2, 8 : i32
    %mul3A_3 = arith.constant 200 : i32
    %mul3A_4 = arith.muli %multiple_of3A, %mul3A_3 : i32
    "tpu.region"() ({
      %run_scoped3A = tpu.sem_alloc : memref<!tpu.dma_semaphore, #tpu.memory_space<semaphore_mem>>
      %dma_start3A_21 = tpu.memref_slice %arg2[%mul3A_4] : memref<819200xi32, #tpu.memory_space<hbm>> -> memref<25600xi32, #tpu.memory_space<hbm>>
      %dma_start3A_22 = tpu.memref_slice %arg2[%mul3A_4] : memref<819200xi32, #tpu.memory_space<hbm>> -> memref<25600xi32, #tpu.memory_space<hbm>>
      tpu.enqueue_dma source(%dma_start3A_22 : memref<25600xi32, #tpu.memory_space<hbm>>) target(%arg5 : memref<25600xi32, #tpu.memory_space<vmem>>) target_semaphore(%run_scoped3A : memref<!tpu.dma_semaphore, #tpu.memory_space<semaphore_mem>>)
      %dma_wait3A = tpu.memref_slice %arg2[%mul3A_4] : memref<819200xi32, #tpu.memory_space<hbm>> -> memref<25600xi32, #tpu.memory_space<hbm>>
      %dma_wait3A_23 = tpu.memref_slice %arg2[%mul3A_4] : memref<819200xi32, #tpu.memory_space<hbm>> -> memref<25600xi32, #tpu.memory_space<hbm>>
      tpu.wait_dma2 semaphore(%run_scoped3A : memref<!tpu.dma_semaphore, #tpu.memory_space<semaphore_mem>>) src(%dma_wait3A_23 : memref<25600xi32, #tpu.memory_space<hbm>>) dst(%arg5 : memref<25600xi32, #tpu.memory_space<vmem>>)
      tpu.yield
    }) : () -> ()
    %multiple_of3A_5 = arith.constant 0 : i32
    %multiple_of3A_6 = tpu.assume_multiple %multiple_of3A_5, 8 : i32
    %add3A_7 = arith.constant 104 : i32
    %add3A_8 = arith.addi %multiple_of3A_6, %add3A_7 : i32
    %dma_start3A = tpu.memref_slice %arg5[%multiple_of3A_6] : memref<25600xi32, #tpu.memory_space<vmem>> -> memref<104xi32, #tpu.memory_space<vmem>>
    %dma_start3A_9 = arith.constant 0 : i32
    %dma_start3A_10 = arith.constant 0 : i32
    %dma_start3A_11 = tpu.memref_slice %arg3[%dma_start3A_9, %dma_start3A_10] : memref<1015808x64xf32, #tpu.memory_space<hbm>> -> memref<1015808x64xf32, #tpu.memory_space<hbm>>
    tpu.enqueue_indirect_dma source(%dma_start3A_11 : memref<1015808x64xf32, #tpu.memory_space<hbm>>) target(%arg6 : memref<104x64xf32, #tpu.memory_space<vmem>>) offsets(%dma_start3A : memref<104xi32, #tpu.memory_space<vmem>>) semaphore(%arg11 : memref<!tpu.dma_semaphore, #tpu.memory_space<semaphore_mem>>)
    %dma_start3A_12 = tpu.memref_slice %arg5[%add3A_8] : memref<25600xi32, #tpu.memory_space<vmem>> -> memref<96xi32, #tpu.memory_space<vmem>>
    %dma_start3A_13 = arith.constant 0 : i32
    %dma_start3A_14 = arith.constant 0 : i32
    %dma_start3A_15 = tpu.memref_slice %arg3[%dma_start3A_13, %dma_start3A_14] : memref<1015808x64xf32, #tpu.memory_space<hbm>> -> memref<1015808x64xf32, #tpu.memory_space<hbm>>
    tpu.enqueue_indirect_dma source(%dma_start3A_15 : memref<1015808x64xf32, #tpu.memory_space<hbm>>) target(%arg7 : memref<96x64xf32, #tpu.memory_space<vmem>>) offsets(%dma_start3A_12 : memref<96xi32, #tpu.memory_space<vmem>>) semaphore(%arg11 : memref<!tpu.dma_semaphore, #tpu.memory_space<semaphore_mem>>)
    %scan3A = arith.constant 0 : i32
    %scan3A_16 = arith.constant 0 : i32
    %scan3A_17 = arith.constant 64 : i32
    %scan3A_18 = arith.addi %scan3A_16, %scan3A_17 : i32
    %scan3A_19 = arith.constant 1 : i32
    scf.for %scan3A_21 = %scan3A_16 to %scan3A_18 step %scan3A_19  : i32 {
      %mul3A_22 = arith.constant 2 : i32
      %mul3A_23 = arith.muli %scan3A_21, %mul3A_22 : i32
      %add3A_24 = arith.constant 1 : i32
      %add3A_25 = arith.addi %mul3A_23, %add3A_24 : i32
      %mul3A_26 = arith.constant 200 : i32
      %mul3A_27 = arith.muli %add3A_25, %mul3A_26 : i32
      %multiple_of3A_28 = tpu.assume_multiple %mul3A_27, 8 : i32
      %add3A_29 = arith.constant 104 : i32
      %add3A_30 = arith.addi %multiple_of3A_28, %add3A_29 : i32
      %dma_start3A_31 = tpu.memref_slice %arg5[%multiple_of3A_28] : memref<25600xi32, #tpu.memory_space<vmem>> -> memref<104xi32, #tpu.memory_space<vmem>>
      %dma_start3A_32 = arith.constant 0 : i32
      %dma_start3A_33 = arith.constant 0 : i32
      %dma_start3A_34 = tpu.memref_slice %arg3[%dma_start3A_32, %dma_start3A_33] : memref<1015808x64xf32, #tpu.memory_space<hbm>> -> memref<1015808x64xf32, #tpu.memory_space<hbm>>
      tpu.enqueue_indirect_dma source(%dma_start3A_34 : memref<1015808x64xf32, #tpu.memory_space<hbm>>) target(%arg8 : memref<104x64xf32, #tpu.memory_space<vmem>>) offsets(%dma_start3A_31 : memref<104xi32, #tpu.memory_space<vmem>>) semaphore(%arg12 : memref<!tpu.dma_semaphore, #tpu.memory_space<semaphore_mem>>)
      %dma_start3A_35 = tpu.memref_slice %arg5[%add3A_30] : memref<25600xi32, #tpu.memory_space<vmem>> -> memref<96xi32, #tpu.memory_space<vmem>>
      %dma_start3A_36 = arith.constant 0 : i32
      %dma_start3A_37 = arith.constant 0 : i32
      %dma_start3A_38 = tpu.memref_slice %arg3[%dma_start3A_36, %dma_start3A_37] : memref<1015808x64xf32, #tpu.memory_space<hbm>> -> memref<1015808x64xf32, #tpu.memory_space<hbm>>
      tpu.enqueue_indirect_dma source(%dma_start3A_38 : memref<1015808x64xf32, #tpu.memory_space<hbm>>) target(%arg9 : memref<96x64xf32, #tpu.memory_space<vmem>>) offsets(%dma_start3A_35 : memref<96xi32, #tpu.memory_space<vmem>>) semaphore(%arg12 : memref<!tpu.dma_semaphore, #tpu.memory_space<semaphore_mem>>)
      %mul3A_39 = arith.constant 200 : i32
      %mul3A_40 = arith.muli %mul3A_23, %mul3A_39 : i32
      %multiple_of3A_41 = tpu.assume_multiple %mul3A_40, 8 : i32
      %add3A_42 = arith.constant 104 : i32
      %add3A_43 = arith.addi %multiple_of3A_41, %add3A_42 : i32
      %dma_wait3A = tpu.memref_slice %arg5[%multiple_of3A_41] : memref<25600xi32, #tpu.memory_space<vmem>> -> memref<104xi32, #tpu.memory_space<vmem>>
      %dma_wait3A_44 = arith.constant 0 : i32
      %dma_wait3A_45 = arith.constant 0 : i32
      %dma_wait3A_46 = tpu.memref_slice %arg3[%dma_wait3A_44, %dma_wait3A_45] : memref<1015808x64xf32, #tpu.memory_space<hbm>> -> memref<1015808x64xf32, #tpu.memory_space<hbm>>
      tpu.wait_indirect_dma semaphore(%arg11 : memref<!tpu.dma_semaphore, #tpu.memory_space<semaphore_mem>>) src(%dma_wait3A_46 : memref<1015808x64xf32, #tpu.memory_space<hbm>>) dst(%arg6 : memref<104x64xf32, #tpu.memory_space<vmem>>)
      %dma_wait3A_47 = tpu.memref_slice %arg5[%add3A_43] : memref<25600xi32, #tpu.memory_space<vmem>> -> memref<96xi32, #tpu.memory_space<vmem>>
      %dma_wait3A_48 = arith.constant 0 : i32
      %dma_wait3A_49 = arith.constant 0 : i32
      %dma_wait3A_50 = tpu.memref_slice %arg3[%dma_wait3A_48, %dma_wait3A_49] : memref<1015808x64xf32, #tpu.memory_space<hbm>> -> memref<1015808x64xf32, #tpu.memory_space<hbm>>
      tpu.wait_indirect_dma semaphore(%arg11 : memref<!tpu.dma_semaphore, #tpu.memory_space<semaphore_mem>>) src(%dma_wait3A_50 : memref<1015808x64xf32, #tpu.memory_space<hbm>>) dst(%arg7 : memref<96x64xf32, #tpu.memory_space<vmem>>)
      %broadcast_in_dim3A = arith.constant 0.000000e+00 : f32
      %broadcast_in_dim3A_51 = vector.broadcast %broadcast_in_dim3A : f32 to vector<16xf32>
      %broadcast_in_dim3A_52 = arith.constant 0.000000e+00 : f32
      %broadcast_in_dim3A_53 = vector.broadcast %broadcast_in_dim3A_52 : f32 to vector<16xf32>
      %broadcast_in_dim3A_54 = arith.constant 0.000000e+00 : f32
      %broadcast_in_dim3A_55 = vector.broadcast %broadcast_in_dim3A_54 : f32 to vector<16xf32>
      %broadcast_in_dim3A_56 = arith.constant 0.000000e+00 : f32
      %broadcast_in_dim3A_57 = vector.broadcast %broadcast_in_dim3A_56 : f32 to vector<16xf32>
      %scan3A_58 = arith.constant 0 : i32
      %scan3A_59 = arith.constant 104 : i32
      %scan3A_60 = arith.addi %scan3A_58, %scan3A_59 : i32
      %scan3A_61 = arith.constant 1 : i32
      %scan3A_62:4 = scf.for %scan3A_148 = %scan3A_58 to %scan3A_60 step %scan3A_61 iter_args(%scan3A_149 = %broadcast_in_dim3A_51, %scan3A_150 = %broadcast_in_dim3A_53, %scan3A_151 = %broadcast_in_dim3A_55, %scan3A_152 = %broadcast_in_dim3A_57) -> (vector<16xf32>, vector<16xf32>, vector<16xf32>, vector<16xf32>)  : i32 {
        %get3A = arith.index_cast %scan3A_148 : i32 to index
        %get3A_153 = arith.constant 0 : index
        %get3A_154 = tpu.vector_load %arg6[%get3A, %get3A_153] {strides = array<i32>} : memref<104x64xf32, #tpu.memory_space<vmem>>, vector<1x16xf32>,
        %get3A_155 = vector.shape_cast %get3A_154 : vector<1x16xf32> to vector<16xf32>
        %add3A_156 = arith.addf %scan3A_149, %get3A_155 : vector<16xf32>
        %get3A_157 = arith.index_cast %scan3A_148 : i32 to index
        %get3A_158 = arith.constant 16 : index
        %get3A_159 = tpu.vector_load %arg6[%get3A_157, %get3A_158] {strides = array<i32>} : memref<104x64xf32, #tpu.memory_space<vmem>>, vector<1x16xf32>,
        %get3A_160 = vector.shape_cast %get3A_159 : vector<1x16xf32> to vector<16xf32>
        %add3A_161 = arith.addf %scan3A_150, %get3A_160 : vector<16xf32>
        %get3A_162 = arith.index_cast %scan3A_148 : i32 to index
        %get3A_163 = arith.constant 32 : index
        %get3A_164 = tpu.vector_load %arg6[%get3A_162, %get3A_163] {strides = array<i32>} : memref<104x64xf32, #tpu.memory_space<vmem>>, vector<1x16xf32>,
        %get3A_165 = vector.shape_cast %get3A_164 : vector<1x16xf32> to vector<16xf32>
        %add3A_166 = arith.addf %scan3A_151, %get3A_165 : vector<16xf32>
        %get3A_167 = arith.index_cast %scan3A_148 : i32 to index
        %get3A_168 = arith.constant 48 : index
        %get3A_169 = tpu.vector_load %arg6[%get3A_167, %get3A_168] {strides = array<i32>} : memref<104x64xf32, #tpu.memory_space<vmem>>, vector<1x16xf32>,
        %get3A_170 = vector.shape_cast %get3A_169 : vector<1x16xf32> to vector<16xf32>
        %add3A_171 = arith.addf %scan3A_152, %get3A_170 : vector<16xf32>
        scf.yield %add3A_156, %add3A_161, %add3A_166, %add3A_171 : vector<16xf32>, vector<16xf32>, vector<16xf32>, vector<16xf32>
      }
      %scan3A_63 = arith.constant 104 : i32
      %scan3A_64 = arith.constant 0 : i32
      %scan3A_65 = arith.constant 96 : i32
      %scan3A_66 = arith.addi %scan3A_64, %scan3A_65 : i32
      %scan3A_67 = arith.constant 1 : i32
      %scan3A_68:4 = scf.for %scan3A_148 = %scan3A_64 to %scan3A_66 step %scan3A_67 iter_args(%scan3A_149 = %scan3A_62#0, %scan3A_150 = %scan3A_62#1, %scan3A_151 = %scan3A_62#2, %scan3A_152 = %scan3A_62#3) -> (vector<16xf32>, vector<16xf32>, vector<16xf32>, vector<16xf32>)  : i32 {
        %get3A = arith.index_cast %scan3A_148 : i32 to index
        %get3A_153 = arith.constant 0 : index
        %get3A_154 = tpu.vector_load %arg7[%get3A, %get3A_153] {strides = array<i32>} : memref<96x64xf32, #tpu.memory_space<vmem>>, vector<1x16xf32>,
        %get3A_155 = vector.shape_cast %get3A_154 : vector<1x16xf32> to vector<16xf32>
        %add3A_156 = arith.addf %scan3A_149, %get3A_155 : vector<16xf32>
        %get3A_157 = arith.index_cast %scan3A_148 : i32 to index
        %get3A_158 = arith.constant 16 : index
        %get3A_159 = tpu.vector_load %arg7[%get3A_157, %get3A_158] {strides = array<i32>} : memref<96x64xf32, #tpu.memory_space<vmem>>, vector<1x16xf32>,
        %get3A_160 = vector.shape_cast %get3A_159 : vector<1x16xf32> to vector<16xf32>
        %add3A_161 = arith.addf %scan3A_150, %get3A_160 : vector<16xf32>
        %get3A_162 = arith.index_cast %scan3A_148 : i32 to index
        %get3A_163 = arith.constant 32 : index
        %get3A_164 = tpu.vector_load %arg7[%get3A_162, %get3A_163] {strides = array<i32>} : memref<96x64xf32, #tpu.memory_space<vmem>>, vector<1x16xf32>,
        %get3A_165 = vector.shape_cast %get3A_164 : vector<1x16xf32> to vector<16xf32>
        %add3A_166 = arith.addf %scan3A_151, %get3A_165 : vector<16xf32>
        %get3A_167 = arith.index_cast %scan3A_148 : i32 to index
        %get3A_168 = arith.constant 48 : index
        %get3A_169 = tpu.vector_load %arg7[%get3A_167, %get3A_168] {strides = array<i32>} : memref<96x64xf32, #tpu.memory_space<vmem>>, vector<1x16xf32>,
        %get3A_170 = vector.shape_cast %get3A_169 : vector<1x16xf32> to vector<16xf32>
        %add3A_171 = arith.addf %scan3A_152, %get3A_170 : vector<16xf32>
        scf.yield %add3A_156, %add3A_161, %add3A_166, %add3A_171 : vector<16xf32>, vector<16xf32>, vector<16xf32>, vector<16xf32>
      }
      %scan3A_69 = arith.constant 96 : i32
      %swap3A = arith.index_cast %mul3A_23 : i32 to index
      %swap3A_70 = arith.constant 0 : index
      %swap3A_71 = tpu.vector_load %arg10[%swap3A, %swap3A_70] {strides = array<i32>} : memref<128x64xf32, #tpu.memory_space<vmem>>, vector<1x16xf32>,
      %swap3A_72 = vector.shape_cast %swap3A_71 : vector<1x16xf32> to vector<16xf32>
      %swap3A_73 = vector.shape_cast %scan3A_68#0 : vector<16xf32> to vector<1x16xf32>
      tpu.vector_store %arg10[%swap3A, %swap3A_70], %swap3A_73 {strides = array<i32>} : memref<128x64xf32, #tpu.memory_space<vmem>>, vector<1x16xf32>,
      %swap3A_74 = arith.index_cast %mul3A_23 : i32 to index
      %swap3A_75 = arith.constant 16 : index
      %swap3A_76 = tpu.vector_load %arg10[%swap3A_74, %swap3A_75] {strides = array<i32>} : memref<128x64xf32, #tpu.memory_space<vmem>>, vector<1x16xf32>,
      %swap3A_77 = vector.shape_cast %swap3A_76 : vector<1x16xf32> to vector<16xf32>
      %swap3A_78 = vector.shape_cast %scan3A_68#1 : vector<16xf32> to vector<1x16xf32>
      tpu.vector_store %arg10[%swap3A_74, %swap3A_75], %swap3A_78 {strides = array<i32>} : memref<128x64xf32, #tpu.memory_space<vmem>>, vector<1x16xf32>,
      %swap3A_79 = arith.index_cast %mul3A_23 : i32 to index
      %swap3A_80 = arith.constant 32 : index
      %swap3A_81 = tpu.vector_load %arg10[%swap3A_79, %swap3A_80] {strides = array<i32>} : memref<128x64xf32, #tpu.memory_space<vmem>>, vector<1x16xf32>,
      %swap3A_82 = vector.shape_cast %swap3A_81 : vector<1x16xf32> to vector<16xf32>
      %swap3A_83 = vector.shape_cast %scan3A_68#2 : vector<16xf32> to vector<1x16xf32>
      tpu.vector_store %arg10[%swap3A_79, %swap3A_80], %swap3A_83 {strides = array<i32>} : memref<128x64xf32, #tpu.memory_space<vmem>>, vector<1x16xf32>,
      %swap3A_84 = arith.index_cast %mul3A_23 : i32 to index
      %swap3A_85 = arith.constant 48 : index
      %swap3A_86 = tpu.vector_load %arg10[%swap3A_84, %swap3A_85] {strides = array<i32>} : memref<128x64xf32, #tpu.memory_space<vmem>>, vector<1x16xf32>,
      %swap3A_87 = vector.shape_cast %swap3A_86 : vector<1x16xf32> to vector<16xf32>
      %swap3A_88 = vector.shape_cast %scan3A_68#3 : vector<16xf32> to vector<1x16xf32>
      tpu.vector_store %arg10[%swap3A_84, %swap3A_85], %swap3A_88 {strides = array<i32>} : memref<128x64xf32, #tpu.memory_space<vmem>>, vector<1x16xf32>,
      %add3A_89 = arith.constant 2 : i32
      %add3A_90 = arith.addi %mul3A_23, %add3A_89 : i32
      %lt3A = arith.constant 128 : i32
      %lt3A_91 = arith.cmpi slt, %add3A_90, %lt3A : i32
      %convert_element_type3A = arith.extui %lt3A_91 : i1 to i32
      %cond3A = arith.constant 0 : i32
      %cond3A_92 = arith.cmpi ne, %convert_element_type3A, %cond3A : i32
      scf.if %cond3A_92 {
        %add3A_148 = arith.constant 2 : i32
        %add3A_149 = arith.addi %mul3A_23, %add3A_148 : i32
        %mul3A_150 = arith.constant 200 : i32
        %mul3A_151 = arith.muli %add3A_149, %mul3A_150 : i32
        %multiple_of3A_152 = tpu.assume_multiple %mul3A_151, 8 : i32
        %add3A_153 = arith.constant 104 : i32
        %add3A_154 = arith.addi %multiple_of3A_152, %add3A_153 : i32
        %dma_start3A_155 = tpu.memref_slice %arg5[%multiple_of3A_152] : memref<25600xi32, #tpu.memory_space<vmem>> -> memref<104xi32, #tpu.memory_space<vmem>>
        %dma_start3A_156 = arith.constant 0 : i32
        %dma_start3A_157 = arith.constant 0 : i32
        %dma_start3A_158 = tpu.memref_slice %arg3[%dma_start3A_156, %dma_start3A_157] : memref<1015808x64xf32, #tpu.memory_space<hbm>> -> memref<1015808x64xf32, #tpu.memory_space<hbm>>
        tpu.enqueue_indirect_dma source(%dma_start3A_158 : memref<1015808x64xf32, #tpu.memory_space<hbm>>) target(%arg6 : memref<104x64xf32, #tpu.memory_space<vmem>>) offsets(%dma_start3A_155 : memref<104xi32, #tpu.memory_space<vmem>>) semaphore(%arg11 : memref<!tpu.dma_semaphore, #tpu.memory_space<semaphore_mem>>)
        %dma_start3A_159 = tpu.memref_slice %arg5[%add3A_154] : memref<25600xi32, #tpu.memory_space<vmem>> -> memref<96xi32, #tpu.memory_space<vmem>>
        %dma_start3A_160 = arith.constant 0 : i32
        %dma_start3A_161 = arith.constant 0 : i32
        %dma_start3A_162 = tpu.memref_slice %arg3[%dma_start3A_160, %dma_start3A_161] : memref<1015808x64xf32, #tpu.memory_space<hbm>> -> memref<1015808x64xf32, #tpu.memory_space<hbm>>
        tpu.enqueue_indirect_dma source(%dma_start3A_162 : memref<1015808x64xf32, #tpu.memory_space<hbm>>) target(%arg7 : memref<96x64xf32, #tpu.memory_space<vmem>>) offsets(%dma_start3A_159 : memref<96xi32, #tpu.memory_space<vmem>>) semaphore(%arg11 : memref<!tpu.dma_semaphore, #tpu.memory_space<semaphore_mem>>)
      } else {
      }
      %add3A_93 = arith.constant 1 : i32
      %add3A_94 = arith.addi %mul3A_23, %add3A_93 : i32
      %mul3A_95 = arith.constant 200 : i32
      %mul3A_96 = arith.muli %add3A_94, %mul3A_95 : i32
      %multiple_of3A_97 = tpu.assume_multiple %mul3A_96, 8 : i32
      %add3A_98 = arith.constant 104 : i32
      %add3A_99 = arith.addi %multiple_of3A_97, %add3A_98 : i32
      %dma_wait3A_100 = tpu.memref_slice %arg5[%multiple_of3A_97] : memref<25600xi32, #tpu.memory_space<vmem>> -> memref<104xi32, #tpu.memory_space<vmem>>
      %dma_wait3A_101 = arith.constant 0 : i32
      %dma_wait3A_102 = arith.constant 0 : i32
      %dma_wait3A_103 = tpu.memref_slice %arg3[%dma_wait3A_101, %dma_wait3A_102] : memref<1015808x64xf32, #tpu.memory_space<hbm>> -> memref<1015808x64xf32, #tpu.memory_space<hbm>>
      tpu.wait_indirect_dma semaphore(%arg12 : memref<!tpu.dma_semaphore, #tpu.memory_space<semaphore_mem>>) src(%dma_wait3A_103 : memref<1015808x64xf32, #tpu.memory_space<hbm>>) dst(%arg8 : memref<104x64xf32, #tpu.memory_space<vmem>>)
      %dma_wait3A_104 = tpu.memref_slice %arg5[%add3A_99] : memref<25600xi32, #tpu.memory_space<vmem>> -> memref<96xi32, #tpu.memory_space<vmem>>
      %dma_wait3A_105 = arith.constant 0 : i32
      %dma_wait3A_106 = arith.constant 0 : i32
      %dma_wait3A_107 = tpu.memref_slice %arg3[%dma_wait3A_105, %dma_wait3A_106] : memref<1015808x64xf32, #tpu.memory_space<hbm>> -> memref<1015808x64xf32, #tpu.memory_space<hbm>>
      tpu.wait_indirect_dma semaphore(%arg12 : memref<!tpu.dma_semaphore, #tpu.memory_space<semaphore_mem>>) src(%dma_wait3A_107 : memref<1015808x64xf32, #tpu.memory_space<hbm>>) dst(%arg9 : memref<96x64xf32, #tpu.memory_space<vmem>>)
      %broadcast_in_dim3A_108 = arith.constant 0.000000e+00 : f32
      %broadcast_in_dim3A_109 = vector.broadcast %broadcast_in_dim3A_108 : f32 to vector<16xf32>
      %broadcast_in_dim3A_110 = arith.constant 0.000000e+00 : f32
      %broadcast_in_dim3A_111 = vector.broadcast %broadcast_in_dim3A_110 : f32 to vector<16xf32>
      %broadcast_in_dim3A_112 = arith.constant 0.000000e+00 : f32
      %broadcast_in_dim3A_113 = vector.broadcast %broadcast_in_dim3A_112 : f32 to vector<16xf32>
      %broadcast_in_dim3A_114 = arith.constant 0.000000e+00 : f32
      %broadcast_in_dim3A_115 = vector.broadcast %broadcast_in_dim3A_114 : f32 to vector<16xf32>
      %scan3A_116 = arith.constant 0 : i32
      %scan3A_117 = arith.constant 104 : i32
      %scan3A_118 = arith.addi %scan3A_116, %scan3A_117 : i32
      %scan3A_119 = arith.constant 1 : i32
      %scan3A_120:4 = scf.for %scan3A_148 = %scan3A_116 to %scan3A_118 step %scan3A_119 iter_args(%scan3A_149 = %broadcast_in_dim3A_109, %scan3A_150 = %broadcast_in_dim3A_111, %scan3A_151 = %broadcast_in_dim3A_113, %scan3A_152 = %broadcast_in_dim3A_115) -> (vector<16xf32>, vector<16xf32>, vector<16xf32>, vector<16xf32>)  : i32 {
        %get3A = arith.index_cast %scan3A_148 : i32 to index
        %get3A_153 = arith.constant 0 : index
        %get3A_154 = tpu.vector_load %arg8[%get3A, %get3A_153] {strides = array<i32>} : memref<104x64xf32, #tpu.memory_space<vmem>>, vector<1x16xf32>,
        %get3A_155 = vector.shape_cast %get3A_154 : vector<1x16xf32> to vector<16xf32>
        %add3A_156 = arith.addf %scan3A_149, %get3A_155 : vector<16xf32>
        %get3A_157 = arith.index_cast %scan3A_148 : i32 to index
        %get3A_158 = arith.constant 16 : index
        %get3A_159 = tpu.vector_load %arg8[%get3A_157, %get3A_158] {strides = array<i32>} : memref<104x64xf32, #tpu.memory_space<vmem>>, vector<1x16xf32>,
        %get3A_160 = vector.shape_cast %get3A_159 : vector<1x16xf32> to vector<16xf32>
        %add3A_161 = arith.addf %scan3A_150, %get3A_160 : vector<16xf32>
        %get3A_162 = arith.index_cast %scan3A_148 : i32 to index
        %get3A_163 = arith.constant 32 : index
        %get3A_164 = tpu.vector_load %arg8[%get3A_162, %get3A_163] {strides = array<i32>} : memref<104x64xf32, #tpu.memory_space<vmem>>, vector<1x16xf32>,
        %get3A_165 = vector.shape_cast %get3A_164 : vector<1x16xf32> to vector<16xf32>
        %add3A_166 = arith.addf %scan3A_151, %get3A_165 : vector<16xf32>
        %get3A_167 = arith.index_cast %scan3A_148 : i32 to index
        %get3A_168 = arith.constant 48 : index
        %get3A_169 = tpu.vector_load %arg8[%get3A_167, %get3A_168] {strides = array<i32>} : memref<104x64xf32, #tpu.memory_space<vmem>>, vector<1x16xf32>,
        %get3A_170 = vector.shape_cast %get3A_169 : vector<1x16xf32> to vector<16xf32>
        %add3A_171 = arith.addf %scan3A_152, %get3A_170 : vector<16xf32>
        scf.yield %add3A_156, %add3A_161, %add3A_166, %add3A_171 : vector<16xf32>, vector<16xf32>, vector<16xf32>, vector<16xf32>
      }
      %scan3A_121 = arith.constant 104 : i32
      %scan3A_122 = arith.constant 0 : i32
      %scan3A_123 = arith.constant 96 : i32
      %scan3A_124 = arith.addi %scan3A_122, %scan3A_123 : i32
      %scan3A_125 = arith.constant 1 : i32
      %scan3A_126:4 = scf.for %scan3A_148 = %scan3A_122 to %scan3A_124 step %scan3A_125 iter_args(%scan3A_149 = %scan3A_120#0, %scan3A_150 = %scan3A_120#1, %scan3A_151 = %scan3A_120#2, %scan3A_152 = %scan3A_120#3) -> (vector<16xf32>, vector<16xf32>, vector<16xf32>, vector<16xf32>)  : i32 {
        %get3A = arith.index_cast %scan3A_148 : i32 to index
        %get3A_153 = arith.constant 0 : index
        %get3A_154 = tpu.vector_load %arg9[%get3A, %get3A_153] {strides = array<i32>} : memref<96x64xf32, #tpu.memory_space<vmem>>, vector<1x16xf32>,
        %get3A_155 = vector.shape_cast %get3A_154 : vector<1x16xf32> to vector<16xf32>
        %add3A_156 = arith.addf %scan3A_149, %get3A_155 : vector<16xf32>
        %get3A_157 = arith.index_cast %scan3A_148 : i32 to index
        %get3A_158 = arith.constant 16 : index
        %get3A_159 = tpu.vector_load %arg9[%get3A_157, %get3A_158] {strides = array<i32>} : memref<96x64xf32, #tpu.memory_space<vmem>>, vector<1x16xf32>,
        %get3A_160 = vector.shape_cast %get3A_159 : vector<1x16xf32> to vector<16xf32>
        %add3A_161 = arith.addf %scan3A_150, %get3A_160 : vector<16xf32>
        %get3A_162 = arith.index_cast %scan3A_148 : i32 to index
        %get3A_163 = arith.constant 32 : index
        %get3A_164 = tpu.vector_load %arg9[%get3A_162, %get3A_163] {strides = array<i32>} : memref<96x64xf32, #tpu.memory_space<vmem>>, vector<1x16xf32>,
        %get3A_165 = vector.shape_cast %get3A_164 : vector<1x16xf32> to vector<16xf32>
        %add3A_166 = arith.addf %scan3A_151, %get3A_165 : vector<16xf32>
        %get3A_167 = arith.index_cast %scan3A_148 : i32 to index
        %get3A_168 = arith.constant 48 : index
        %get3A_169 = tpu.vector_load %arg9[%get3A_167, %get3A_168] {strides = array<i32>} : memref<96x64xf32, #tpu.memory_space<vmem>>, vector<1x16xf32>,
        %get3A_170 = vector.shape_cast %get3A_169 : vector<1x16xf32> to vector<16xf32>
        %add3A_171 = arith.addf %scan3A_152, %get3A_170 : vector<16xf32>
        scf.yield %add3A_156, %add3A_161, %add3A_166, %add3A_171 : vector<16xf32>, vector<16xf32>, vector<16xf32>, vector<16xf32>
      }
      %scan3A_127 = arith.constant 96 : i32
      %swap3A_128 = arith.index_cast %add3A_94 : i32 to index
      %swap3A_129 = arith.constant 0 : index
      %swap3A_130 = tpu.vector_load %arg10[%swap3A_128, %swap3A_129] {strides = array<i32>} : memref<128x64xf32, #tpu.memory_space<vmem>>, vector<1x16xf32>,
      %swap3A_131 = vector.shape_cast %swap3A_130 : vector<1x16xf32> to vector<16xf32>
      %swap3A_132 = vector.shape_cast %scan3A_126#0 : vector<16xf32> to vector<1x16xf32>
      tpu.vector_store %arg10[%swap3A_128, %swap3A_129], %swap3A_132 {strides = array<i32>} : memref<128x64xf32, #tpu.memory_space<vmem>>, vector<1x16xf32>,
      %swap3A_133 = arith.index_cast %add3A_94 : i32 to index
      %swap3A_134 = arith.constant 16 : index
      %swap3A_135 = tpu.vector_load %arg10[%swap3A_133, %swap3A_134] {strides = array<i32>} : memref<128x64xf32, #tpu.memory_space<vmem>>, vector<1x16xf32>,
      %swap3A_136 = vector.shape_cast %swap3A_135 : vector<1x16xf32> to vector<16xf32>
      %swap3A_137 = vector.shape_cast %scan3A_126#1 : vector<16xf32> to vector<1x16xf32>
      tpu.vector_store %arg10[%swap3A_133, %swap3A_134], %swap3A_137 {strides = array<i32>} : memref<128x64xf32, #tpu.memory_space<vmem>>, vector<1x16xf32>,
      %swap3A_138 = arith.index_cast %add3A_94 : i32 to index
      %swap3A_139 = arith.constant 32 : index
      %swap3A_140 = tpu.vector_load %arg10[%swap3A_138, %swap3A_139] {strides = array<i32>} : memref<128x64xf32, #tpu.memory_space<vmem>>, vector<1x16xf32>,
      %swap3A_141 = vector.shape_cast %swap3A_140 : vector<1x16xf32> to vector<16xf32>
      %swap3A_142 = vector.shape_cast %scan3A_126#2 : vector<16xf32> to vector<1x16xf32>
      tpu.vector_store %arg10[%swap3A_138, %swap3A_139], %swap3A_142 {strides = array<i32>} : memref<128x64xf32, #tpu.memory_space<vmem>>, vector<1x16xf32>,
      %swap3A_143 = arith.index_cast %add3A_94 : i32 to index
      %swap3A_144 = arith.constant 48 : index
      %swap3A_145 = tpu.vector_load %arg10[%swap3A_143, %swap3A_144] {strides = array<i32>} : memref<128x64xf32, #tpu.memory_space<vmem>>, vector<1x16xf32>,
      %swap3A_146 = vector.shape_cast %swap3A_145 : vector<1x16xf32> to vector<16xf32>
      %swap3A_147 = vector.shape_cast %scan3A_126#3 : vector<16xf32> to vector<1x16xf32>
      tpu.vector_store %arg10[%swap3A_143, %swap3A_144], %swap3A_147 {strides = array<i32>} : memref<128x64xf32, #tpu.memory_space<vmem>>, vector<1x16xf32>,
    }
    %scan3A_20 = arith.constant 64 : i32
    "tpu.region"() ({
      %run_scoped3A = tpu.sem_alloc : memref<!tpu.dma_semaphore, #tpu.memory_space<semaphore_mem>>
      %dma_start3A_21 = arith.constant 0 : i32
      %dma_start3A_22 = tpu.memref_slice %arg4[%multiple_of3A, %dma_start3A_21] : memref<4096x64xf32, #tpu.memory_space<hbm>> -> memref<128x64xf32, #tpu.memory_space<hbm>>
      %dma_start3A_23 = arith.constant 0 : i32
      %dma_start3A_24 = tpu.memref_slice %arg4[%multiple_of3A, %dma_start3A_23] : memref<4096x64xf32, #tpu.memory_space<hbm>> -> memref<128x64xf32, #tpu.memory_space<hbm>>
      tpu.enqueue_dma source(%arg10 : memref<128x64xf32, #tpu.memory_space<vmem>>) target(%dma_start3A_24 : memref<128x64xf32, #tpu.memory_space<hbm>>) target_semaphore(%run_scoped3A : memref<!tpu.dma_semaphore, #tpu.memory_space<semaphore_mem>>)
      %dma_wait3A = arith.constant 0 : i32
      %dma_wait3A_25 = tpu.memref_slice %arg4[%multiple_of3A, %dma_wait3A] : memref<4096x64xf32, #tpu.memory_space<hbm>> -> memref<128x64xf32, #tpu.memory_space<hbm>>
      %dma_wait3A_26 = arith.constant 0 : i32
      %dma_wait3A_27 = tpu.memref_slice %arg4[%multiple_of3A, %dma_wait3A_26] : memref<4096x64xf32, #tpu.memory_space<hbm>> -> memref<128x64xf32, #tpu.memory_space<hbm>>
      tpu.wait_dma2 semaphore(%run_scoped3A : memref<!tpu.dma_semaphore, #tpu.memory_space<semaphore_mem>>) src(%arg10 : memref<128x64xf32, #tpu.memory_space<vmem>>) dst(%dma_wait3A_27 : memref<128x64xf32, #tpu.memory_space<hbm>>)
      tpu.yield
    }) : () -> ()
    return
  }
}

</mosaic_0001>

<sc_bundles>
// kernel: _bow.3.cloned.1.call-start
scs
__scs_entry_jumppad:
0x0: {  	(pc) =	sbr.rel $0x88, $3  }
0x1: {  	(tag) =	ssettag $0x0;
	lr =	simm.s32 $0x1  }
0x2: {  	[smem:$0x3F9F] =	sst lr;
	_ =	strace $0xD0000000  }
0x3: {  	_ = 	snop  }
0x4: {  	_ = 	snop  }
0x5: {  	_ = 	snop  }
0x6: {  	_ = 	snop  }
0x7: {  	_ = 	snop  }
__scs_overlays_trampoline_lowered:
0x8: {  	[smem:$0x3FAE] =	sst s0  }
0x9: {  	[smem:$0x3FAF] =	sst s1  }
0xa: {  	[smem:$0x3FB0] =	sst s2  }
0xb: {  	[smem:$0x3FB1] =	sst s3  }
0xc: {  	[smem:$0x3FB2] =	sst s4  }
0xd: {  	[smem:$0x3FB3] =	sst s5  }
0xe: {  	[smem:$0x3FB4] =	sst s6  }
0xf: {  	[smem:$0x3FB5] =	sst s7  }
0x10: {  	[smem:$0x3FB6] =	sst s8  }
0x11: {  	[smem:$0x3FB7] =	sst s9;
	s0 =	simm.s32 @!p0 $0x0  }
0x12: {  	s1 =	sld [smem:$0x3F9D];
	s0 =	simm.s32 @p0 $0x1  }
0x13: {  	[smem:$0x3FB8] =	sst s0;
	s0 =	simm.s32 @!p1 $0x0  }
0x14: {  	s2 =	sld [smem:$0x3F9C];
	s0 =	simm.s32 @p1 $0x1  }
0x15: {  	[smem:$0x3FB9] =	sst s0;
	s0 =	simm.s32 @!p2 $0x0  }
0x16: {  	s3 =	sld [smem:$0x3FDB];
	s0 =	simm.s32 @p2 $0x1  }
0x17: {  	s4 =	simm.s32 $0x1BF5;
	[smem:$0x3FBB] =	sst s0  }
0x18: {  	s0 =	sld [smem:$0x3F9E];
	_ =	swait.ge [sflag:s4], $0x0  }
0x19: {  	s7 =	sld [smem:$0x3F9F]  }
0x1a: {  	s8 =	sadd.s32 $0xFFFFE003, lr  }
0x1b: {  	s9 =	sadd.s32 $0xFFFFFEF7, lr;
	s5 =	simm.s32 $0xFFFFFFFF;
	p2 =	slt.u32 s8, $0xFFFFF086  }
0x1c: {  	p1 =	slt.u32 s9, $0xF7A;
	s5 =	simm.s32 @!p2 $0x0  }
0x1d: {  	s5 =	simm.s32 @p1 $0x1;
	p0 =	seq.s32 s7, s2  }
0x1e: {  	s7 =	smul.u32 @!p0 $0xF7A, s2;
	p2 =	seq.s32 @!p0 s5, $0x0  }
0x1f: {  	s9 =	smul.u32 $0xF7A, s1;
	s8 =	simm.s32 @!p0 $0x1BF5;
	p2 =	por !p2, p0  }
0x20: {  	[sflag:s8] =	ssyncset.s32 @!p0 $0xFFFFF086;
	s6 =	sadd.s32 @!p0 s3, s7;
	s7 =	simm.s32 @!p0 $0x108  }
0x21: {  	s3 =	sadd.s32 s3, s9;
	s6 =	sadd.s32 @!p0 $0x88, s6;
	s7 =	simm.s32 @p2 $0x1082  }
0x22: {  	[simem:s7], [sflag:s8] =	dma.local @!p0 [hbm:s6], $0xF7A  }
0x23: {  	s9 =	sor.u32 $0xD0000000, s2;
	s6 =	simm.s32 $0x108;
	_ =	swait.ge @!p0 [sflag:s8], $0x0  }
0x24: {  	s3 =	sadd.s32 $0x88, s3;
	s6 =	simm.s32 @!p1 $0x1082;
	[sflag:s4] =	ssyncset.s32 $0xFFFFF086  }
0x25: {  	[simem:s6], [sflag:s4] =	dma.local [hbm:s3], $0xF7A  }
0x26: {  	[smem:$0x3F9F] =	sst s1;
	(tag) =	ssettag s2;
	_ =	strace s9  }
0x27: {  	s1 =	sld [smem:$0x3FAF]  }
0x28: {  	s2 =	sld [smem:$0x3FB0]  }
0x29: {  	s4 =	sld [smem:$0x3FB2]  }
0x2a: {  	p0 =	seq.s32 s5, $0x0;
	s5 =	sld [smem:$0x3FB3]  }
0x2b: {  	s6 =	sld [smem:$0x3FB4]  }
0x2c: {  	s7 =	sld [smem:$0x3FB5]  }
0x2d: {  	s3 =	simm.s32 $0x108;
	s8 =	sld [smem:$0x3FB6]  }
0x2e: {  	s3 =	simm.s32 @!p0 $0x1082;
	s9 =	sld [smem:$0x3FB7]  }
0x2f: {  	lr =	sadd.s32 s0, s3;
	s0 =	sld [smem:$0x3FAE]  }
0x30: {  	s3 =	sld [smem:$0x3FB1]  }
0x31: {  	[smem:$0x3FBA] =	sst s10  }
0x32: {  	s10 =	sld [smem:$0x3FB8];
	_ =	sdelay $0x3  }
0x33: {  	p0 =	seq.s32 s10, $0x1;
	s10 =	sld [smem:$0x3FBA];
	_ =	sdelay $0x3  }
0x34: {  	[smem:$0x3FBA] =	sst s10  }
0x35: {  	s10 =	sld [smem:$0x3FB9];
	_ =	sdelay $0x3  }
0x36: {  	p1 =	seq.s32 s10, $0x1;
	s10 =	sld [smem:$0x3FBA];
	_ =	sdelay $0x3  }
0x37: {  	[smem:$0x3FBA] =	sst s10  }
0x38: {  	s10 =	sld [smem:$0x3FBB]  }
0x39: {  	_ = 	snop;
	(pc) =	sbr.ind lr, $3  }
0x3a: {  	_ = 	snop  }
0x3b: {  	_ = 	snop  }
0x3c: {  	p2 =	seq.s32 s10, $0x1;
	s10 =	sld [smem:$0x3FBA]  }
0x3d: {  	_ =	shalt  }
0x3e: {  	_ =	shalt  }
0x3f: {  	_ =	shalt  }
0x40: {  	_ =	shalt  }
0x41: {  	_ =	shalt  }
0x42: {  	_ =	shalt  }
0x43: {  	_ =	shalt  }
0x44: {  	_ =	shalt  }
0x45: {  	_ =	shalt  }
0x46: {  	_ =	shalt  }
0x47: {  	_ =	shalt  }
0x48: {  	_ =	shalt  }
0x49: {  	_ =	shalt  }
0x4a: {  	_ =	shalt  }
0x4b: {  	_ =	shalt  }
0x4c: {  	_ =	shalt  }
0x4d: {  	_ =	shalt  }
0x4e: {  	_ =	shalt  }
0x4f: {  	_ =	shalt  }
0x50: {  	_ =	shalt  }
0x51: {  	_ =	shalt  }
0x52: {  	_ =	shalt  }
0x53: {  	_ =	shalt  }
0x54: {  	_ =	shalt  }
0x55: {  	_ =	shalt  }
0x56: {  	_ =	shalt  }
0x57: {  	_ =	shalt  }
0x58: {  	_ =	shalt  }
0x59: {  	_ =	shalt  }
0x5a: {  	_ =	shalt  }
0x5b: {  	_ =	shalt  }
0x5c: {  	_ =	shalt  }
0x5d: {  	_ =	shalt  }
0x5e: {  	_ =	shalt  }
0x5f: {  	_ =	shalt  }
0x60: {  	_ =	shalt  }
0x61: {  	_ =	shalt  }
0x62: {  	_ =	shalt  }
0x63: {  	_ =	shalt  }
0x64: {  	_ =	shalt  }
0x65: {  	_ =	shalt  }
0x66: {  	_ =	shalt  }
0x67: {  	_ =	shalt  }
0x68: {  	_ =	shalt  }
0x69: {  	_ =	shalt  }
0x6a: {  	_ =	shalt  }
0x6b: {  	_ =	shalt  }
0x6c: {  	_ =	shalt  }
0x6d: {  	_ =	shalt  }
0x6e: {  	_ =	shalt  }
0x6f: {  	_ =	shalt  }
0x70: {  	_ =	shalt  }
0x71: {  	_ =	shalt  }
0x72: {  	_ =	shalt  }
0x73: {  	_ =	shalt  }
0x74: {  	_ =	shalt  }
0x75: {  	_ =	shalt  }
0x76: {  	_ =	shalt  }
0x77: {  	_ =	shalt  }
0x78: {  	_ =	shalt  }
0x79: {  	_ =	shalt  }
0x7a: {  	_ =	shalt  }
0x7b: {  	_ =	shalt  }
0x7c: {  	_ =	shalt  }
0x7d: {  	_ =	shalt  }
0x7e: {  	_ =	shalt  }
0x7f: {  	_ =	shalt  }
0x80: {  	_ =	shalt  }
0x81: {  	_ =	shalt  }
0x82: {  	_ =	shalt  }
0x83: {  	_ =	shalt  }
0x84: {  	_ =	shalt  }
0x85: {  	_ =	shalt  }
0x86: {  	_ =	shalt  }
0x87: {  	_ =	shalt  }
.Lfunc_end0:
.L_simem_size_0:
called_computation_lowered:
.L_overlay_start_0:
0x88: {  	s2 =	sld [smem:$0x3FD9]  }
0x89: {  	s3 =	sld [smem:$0x3FFE];
	_ =	sdelay $0x1  }
0x8a: {  	s1 =	srdreg.scid  }
0x8b: {  	s0 =	sand.u32 $0x1, s1  }
0x8c: {  	s17 =	sshll.u32 s0, $0xA;
	s2 =	sadd.s32 s3, s2  }
0x8d: {  	s2 =	sadd.s32 s2, s17  }
0x8e: {  	[smem:$0x3FC6] =	sst s2  }
0x8f: {  	_ = 	snop  }
0x90: {  	s2 =	sld [smem:$0x3FC9]  }
0x91: {  	s18 =	sld [smem:$0x3FD0];
	(tm) =	ssettm $0x1  }
0x92: {  	s4 =	sld [smem:$0x3FFB];
	_ =	sdelay $0x3  }
0x93: {  	_ =	strace s4  }
0x94: {  	s4 =	sld [smem:$0x3FFC];
	_ =	sdelay $0x3  }
0x95: {  	_ =	strace s4  }
0x96: {  	s4 =	sld [smem:$0x3FFD];
	_ =	sdelay $0x3  }
0x97: {  	_ =	strace s4  }
0x98: {  	_ =	strace $0x8FFFFFFF  }
0x99: {  	s19 =	sld [smem:$0x3FDB];
	_ =	sdelay $0x1  }
0x9a: {  	s5 =	simm.s32 $_scs_section_size  }
0x9b: {  	s6 =	simm.s32 $_size__tile_overlayer_lowered;
	s7 =	simm.s32 $_tile_overlayer_lowered  }
0x9c: {  	s22 =	simm.s32 $0x1BFF;
	s21 =	sshll.u32 s7, $0x1;
	s4 =	sadd.s32 s5, s19  }
0x9d: {  	s8 =	simm.s32 $0x0;
	s20 =	sshll.u32 s6, $0x1;
	s6 =	sadd.s32 s21, s4  }
0x9e: {  	[timem:s8], [sflag:s22] =	dma.local [hbm:s6], s20  }
0x9f: {  	_ =	swait.ge [sflag:s22], s20  }
0xa0: {  	s5 =	ssub.s32 $0x0, s20;
	[sflag:s22] =	ssyncset.done $0x0  }
0xa1: {  	[sflag:s22] =	ssyncadd.s32 s5;
	_ =	sdelay $0x1  }
0xa2: {  	s23 =	simm.s32 $0x1B8B  }
0xa3: {  	_ =	swait.ge [sflag:s23], $0x1  }
0xa4: {  	[sflag:s23] =	ssyncset.done $0x0  }
0xa5: {  	s25 =	simm.s32 $0x1B8E;
	s24 =	sld [smem:$0x3FFE];
	[sflag:s23] =	ssyncadd.s32 $0xFFFFFFFF  }
0xa6: {  	s26 =	simm.s32 $execute0_lowered;
	[smem:$0x3FD2] =	sst s25  }
0xa7: {  	s6 =	sshll.u32 s26, $0x1;
	_ =	strace $0x80000046;
	[dreg:$0x1] =	wrdreg $0xFFFFFFFF  }
0xa8: {  	s28 =	simm.s32 $_size_execute0_lowered;
	s4 =	sadd.s32 s4, s6;
	[dreg:$0x0] =	wrdreg $0x0  }
0xa9: {  	s6 =	sshll.u32 s28, $0x1;
	[dreg:$0x2] =	wrdreg s4  }
0xaa: {  	[dreg:$0x3] =	wrdreg s6  }
0xab: {  	[dreg:$0x4] =	wrdreg $0xC0  }
0xac: {  	_ =	task [dreg:s8], $0x5FFFF  }
0xad: {  	[dreg:$0x1] =	wrdreg $0xFFFFFFFF  }
0xae: {  	[dreg:$0x0] =	wrdreg $0x60  }
0xaf: {  	[dreg:$0x2] =	wrdreg s2  }
0xb0: {  	[dreg:$0x3] =	wrdreg s24  }
0xb1: {  	[dreg:$0x4] =	wrdreg s18  }
0xb2: {  	[dreg:$0x5] =	wrdreg $0x9  }
0xb3: {  	_ =	task.clear_ibuf [dreg:s8], $0x6FFFF;
	_ =	strace $0x90000046  }
0xb4: {  	s29 =	simm.s32 $0x9;
	_ =	strace $0x80000048  }
0xb5: {  	_ =	swait.ge [sflag:s29], $0x1  }
0xb6: {  	[sflag:s29] =	ssyncadd.s32 $0xFFFFFFFF  }
0xb7: {  	_ =	strace $0x90000048  }
0xb8: {  	_ =	sfence  }
0xb9: {  	s30 =	sld [smem:$0x0];
	_ =	sdelay $0x2  }
0xba: {  	s31 =	sshll.u32 s1, $0xD;
	s1 =	sshrl.u32 s1, $0x2  }
0xbb: {  	s3 =	sand.u32 $0x4000, s31;
	s1 =	sadd.s32 s1, s30  }
0xbc: {  	s0 =	sor.u32 s3, s0;
	s1 =	sshll.u32 s1, $0x11  }
0xbd: {  	s0 =	sor.u32 s1, s0  }
0xbe: {  	s0 =	sadd.s32 $0x8F2B, s0  }
0xbf: {  	[sflag:s0] =	ssyncadd.remote.s32 $0x1  }
0xc0: {  	_ =	sfence.sel $0xFFFF  }
0xc1: {  	[dreg:$0x0] =	wrdreg $0xFFFFFFFF;
	(pc) =	sbr.abs _section_cstart, $3  }
0xc2: {  	[dreg:$0x1] =	wrdreg $0xFFFFFFFF  }
0xc3: {  	_ =	task.clear_ibuf [dreg:s8], $0x2FFFF;
	_ =	strace $0x9FFFFFFF  }
0xc4: {  	(tm) =	ssettm $0x7FFFFFFF  }
0xc5: {  	_ =	shalt  }
tec
execute0_lowered:
.L_overlay_start_1:
0x0: {  	(tag) =	ssettag $0x1  }
0x1: {  	s4 =	rddreg [dreg:$0x0]  }
0x2: {  	s3 =	rddreg [dreg:$0x1]  }
0x3: {  	s5 =	rddreg [dreg:$0x2];
	s2 =	srdreg.scid  }
0x4: {  	s0 =	rddreg [dreg:$0x3];
	s1 =	stileid.u32  }
0x5: {  	s10 =	simm.s32 $0x60;
	s11 =	simm.s32 $0x7E00;
	s12 =	simm.s32 $0x9600  }
0x6: {  	s13 =	simm.s32 $0xB000;
	s14 =	simm.s32 $0x1;
	s15 =	simm.s32 $0x2  }
0x7: {  	s16 =	simm.s32 $0xC800;
	s17 =	simm.s32 $0x0;
	s6 =	sand.u32 $0x1, s2  }
0x8: {  	s2 =	simm.s32 $0x0;
	s7 =	sshll.u32 s1, $0x8;
	s3 =	sadd.s32 $0xF80400, s3  }
0x9: {  	s8 =	sshll.u32 s6, $0x7;
	[smem:$0x7FF] =	sst s2;
	s6 =	ssub.s32 $0x2, s6  }
0xa: {  	s7 =	sor.u32 s8, s7;
	_ =	strace $0x80000047;
	s9 =	sshrl.u32 s6, $0x1  }
0xb: {  	s8 =	smul.u32 $0x19, s7;
	s7 =	sshll.u32 s7, $0x3;
	s6 =	ssub.s32 s6, s9  }
0xc: {  	s9 =	simm.s32 $0x6400;
	s5 =	sadd.s32 s5, s7;
	s6 =	smax.u32 s6, $0x1  }
0xd: {  	s7 =	simm.s32 $0x3;
	s4 =	sadd.s32 s4, s8;
	s8 =	simm.s32 $0x68  }
.LBB2_1:
0xe: {  	[tilespmem:s2], [sflag:$0x3] =	stream.linear.gather [hbm4b:s4+s2], $0x6400, $0x38;
	[tilespmem:$0xE800] =	vst v63  }
0xf: {  	_ =	swait.ge [sflag:s7], $0x6400  }
0x10: {  	[sflag:s7] =	ssyncset.done $0x0  }
0x11: {  	[sflag:s7] =	ssyncadd.s32 $0xFFFF9C00  }
0x12: {  	[tilespmem:s9], [sflag:$0x1] =	stream.indirect.gather [hbm4b:s3+s8], $0x40, s2, s8, $0xb8;
	[tilespmem:$0xE800] =	vst v63  }
0x13: {  	s18 =	simm.s32 $0x0  }
0x14: {  	[tilespmem:s11], [sflag:$0x1] =	stream.indirect.gather [hbm4b:s3+s10], $0x40, s8, s10, $0xb8;
	[tilespmem:$0xE800] =	vst v63  }
.LBB2_2:
0x15: {  	s19 =	sshllo.u32 s18, $0x1  }
0x16: {  	s20 =	smul.u32 $0x320, s19;
	_ =	sdelay $0x1  }
0x17: {  	s20 =	sshra.s32 s20, $0x2  }
0x18: {  	[tilespmem:s12], [sflag:$0x2] =	stream.indirect.gather [hbm4b:s3+s8], $0x40, s20, s8, $0xb8;
	[tilespmem:$0xE800] =	vst v63  }
0x19: {  	s20 =	sadd.s32 $0x68, s20  }
0x1a: {  	[tilespmem:s13], [sflag:$0x2] =	stream.indirect.gather [hbm4b:s3+s10], $0x40, s20, s10, $0xb8;
	[tilespmem:$0xE800] =	vst v63  }
0x1b: {  	_ =	swait.ge [sflag:s14], $0x1A00  }
0x1c: {  	[sflag:s14] =	ssyncset.done $0x0  }
0x1d: {  	[sflag:s14] =	ssyncadd.s32 $0xFFFFE600  }
0x1e: {  	_ =	swait.ge [sflag:s14], $0x1800  }
0x1f: {  	[sflag:s14] =	ssyncset.done $0x0  }
0x20: {  	s20 =	simm.s32 $0x0;
	[sflag:s14] =	ssyncadd.s32 $0xFFFFE800  }
0x21: {  	v2 =	vld [tilespmem:s20+$0x6430]  }
0x22: {  	v3 =	vld [tilespmem:s20+$0x6400]  }
0x23: {  	v0 =	vimm.f32 $0.0e+00;
	v4 =	vld [tilespmem:s20+$0x6410]  }
0x24: {  	s21 =	simm.s32 $0x100;
	v8 =	vimm.f32 $0.0e+00;
	v6 =	vimm.f32 $0.0e+00;
	v7 =	vimm.f32 $0.0e+00;
	v5 =	vld [tilespmem:s20+$0x6420]  }
.LBB2_3:
0x25: {  	p0 =	sne.s32 s21, $0x6700  }
.Ltmp0:
0x26: {  	s22 =	sshra.s32 s21, $0x2;
	s21 =	sadd.s32 $0x100, s21;
	v0 =	vadd.f32 v2, v0;
	(pc) =	sbr.rel @p0 .LBB2_3-.Ltmp0, $4  }
0x27: {  	v2 =	vld [tilespmem:s22+$0x6430];
	v8 =	vadd.f32 v3, v8  }
0x28: {  	v3 =	vld [tilespmem:s22+$0x6400];
	v6 =	vadd.f32 v4, v6  }
0x29: {  	v4 =	vld [tilespmem:s22+$0x6410];
	v7 =	vadd.f32 v5, v7  }
0x2a: {  	v5 =	vld [tilespmem:s22+$0x6420]  }
0x2b: {  	_ = 	snop  }
0x2c: {  	v1 =	vld [tilespmem:s20+$0x7E30]  }
0x2d: {  	v9 =	vld [tilespmem:s20+$0x7E00]  }
0x2e: {  	v0 =	vadd.f32 v2, v0;
	v3 =	vadd.f32 v3, v8;
	v8 =	vld [tilespmem:s20+$0x7E10]  }
0x2f: {  	s21 =	simm.s32 $0x100;
	v4 =	vadd.f32 v4, v6;
	v2 =	vadd.f32 v5, v7;
	v5 =	vld [tilespmem:s20+$0x7E20]  }
.LBB2_5:
0x30: {  	p0 =	sne.s32 s21, $0x5F00  }
.Ltmp1:
0x31: {  	s20 =	sshra.s32 s21, $0x2;
	s21 =	sadd.s32 $0x100, s21;
	v0 =	vadd.f32 v1, v0;
	(pc) =	sbr.rel @p0 .LBB2_5-.Ltmp1, $4  }
0x32: {  	v1 =	vld [tilespmem:s20+$0x7E30];
	v3 =	vadd.f32 v9, v3  }
0x33: {  	v9 =	vld [tilespmem:s20+$0x7E00];
	v4 =	vadd.f32 v8, v4  }
0x34: {  	v8 =	vld [tilespmem:s20+$0x7E10];
	v2 =	vadd.f32 v5, v2  }
0x35: {  	v5 =	vld [tilespmem:s20+$0x7E20]  }
0x36: {  	_ = 	snop  }
0x37: {  	s20 =	sshll.u32 s18, $0x7;
	v0 =	vadd.f32 v1, v0  }
0x38: {  	p0 =	seq.s32 s18, $0x3F;
	s20 =	sand.u32 $0x3FFFFF80, s20;
	v3 =	vadd.f32 v9, v3  }
0x39: {  	s21 =	smul.u32 @!p0 $0x640, s18;
	v4 =	vadd.f32 v8, v4;
	[tilespmem:s20+$0xC830] =	vst v0  }
0x3a: {  	v2 =	vadd.f32 v5, v2;
	[tilespmem:s20+$0xC800] =	vst v3  }
0x3b: {  	s21 =	sshra.s32 @!p0 s21, $0x2;
	[tilespmem:s20+$0xC810] =	vst v4  }
0x3c: {  	s22 =	simm.s32 @!p0 $0x68;
	s23 =	simm.s32 @!p0 $0x6400;
	[tilespmem:s20+$0xC820] =	vst v2;
	s20 =	sadd.s32 @!p0 $0x190, s21  }
0x3d: {  	[tilespmem:s23], [sflag:$0x1] =	stream.indirect.gather @!p0 [hbm4b:s3+s22], $0x40, s20, s22, $0xb8;
	[tilespmem:$0xE800] =	vst v63  }
0x3e: {  	s20 =	sadd.s32 @!p0 $0x1F8, s21;
	s21 =	simm.s32 @!p0 $0x60;
	s22 =	simm.s32 @!p0 $0x7E00  }
0x3f: {  	[tilespmem:s22], [sflag:$0x1] =	stream.indirect.gather @!p0 [hbm4b:s3+s21], $0x40, s20, s21, $0xb8;
	[tilespmem:$0xE800] =	vst v63  }
0x40: {  	_ =	swait.ge [sflag:s15], $0x1A00  }
0x41: {  	[sflag:s15] =	ssyncset.done $0x0  }
0x42: {  	[sflag:s15] =	ssyncadd.s32 $0xFFFFE600  }
0x43: {  	_ =	swait.ge [sflag:s15], $0x1800  }
0x44: {  	[sflag:s15] =	ssyncset.done $0x0  }
0x45: {  	s20 =	simm.s32 $0x0;
	[sflag:s15] =	ssyncadd.s32 $0xFFFFE800  }
0x46: {  	v2 =	vld [tilespmem:s20+$0x9630]  }
0x47: {  	v3 =	vld [tilespmem:s20+$0x9600]  }
0x48: {  	v6 =	vimm.f32 $0.0e+00;
	v4 =	vld [tilespmem:s20+$0x9610]  }
0x49: {  	v7 =	vimm.f32 $0.0e+00;
	v0 =	vimm.f32 $0.0e+00;
	v8 =	vimm.f32 $0.0e+00;
	s21 =	simm.s32 $0x100;
	v5 =	vld [tilespmem:s20+$0x9620]  }
.LBB2_7:
0x4a: {  	p0 =	sne.s32 s21, $0x6700  }
.Ltmp2:
0x4b: {  	s22 =	sshra.s32 s21, $0x2;
	s21 =	sadd.s32 $0x100, s21;
	v0 =	vadd.f32 v2, v0;
	(pc) =	sbr.rel @p0 .LBB2_7-.Ltmp2, $4  }
0x4c: {  	v2 =	vld [tilespmem:s22+$0x9630];
	v8 =	vadd.f32 v3, v8  }
0x4d: {  	v3 =	vld [tilespmem:s22+$0x9600];
	v6 =	vadd.f32 v4, v6  }
0x4e: {  	v4 =	vld [tilespmem:s22+$0x9610];
	v7 =	vadd.f32 v5, v7  }
0x4f: {  	v5 =	vld [tilespmem:s22+$0x9620]  }
0x50: {  	_ = 	snop  }
0x51: {  	v1 =	vld [tilespmem:s20+$0xB030]  }
0x52: {  	v9 =	vld [tilespmem:s20+$0xB000]  }
0x53: {  	v0 =	vadd.f32 v2, v0;
	v3 =	vadd.f32 v3, v8;
	v8 =	vld [tilespmem:s20+$0xB010]  }
0x54: {  	s21 =	simm.s32 $0x100;
	v4 =	vadd.f32 v4, v6;
	v2 =	vadd.f32 v5, v7;
	v5 =	vld [tilespmem:s20+$0xB020]  }
.LBB2_9:
0x55: {  	p0 =	sne.s32 s21, $0x5F00  }
.Ltmp3:
0x56: {  	s20 =	sshra.s32 s21, $0x2;
	s21 =	sadd.s32 $0x100, s21;
	v0 =	vadd.f32 v1, v0;
	(pc) =	sbr.rel @p0 .LBB2_9-.Ltmp3, $4  }
0x57: {  	v1 =	vld [tilespmem:s20+$0xB030];
	v3 =	vadd.f32 v9, v3  }
0x58: {  	v9 =	vld [tilespmem:s20+$0xB000];
	v4 =	vadd.f32 v8, v4  }
0x59: {  	v8 =	vld [tilespmem:s20+$0xB010];
	v2 =	vadd.f32 v5, v2  }
0x5a: {  	v5 =	vld [tilespmem:s20+$0xB020]  }
0x5b: {  	s18 =	sadd.s32 $0x1, s18  }
0x5c: {  	s19 =	sshll.u32 s19, $0x6;
	v0 =	vadd.f32 v1, v0;
	p0 =	sne.s32 s18, $0x40  }
.Ltmp4:
0x5d: {  	s19 =	sand.u32 $0x3FFFFFC0, s19;
	v3 =	vadd.f32 v9, v3;
	(pc) =	sbr.rel @p0 .LBB2_2-.Ltmp4, $4  }
0x5e: {  	v4 =	vadd.f32 v8, v4;
	[tilespmem:s19+$0xC830] =	vst v0  }
0x5f: {  	v2 =	vadd.f32 v5, v2;
	[tilespmem:s19+$0xC800] =	vst v3  }
0x60: {  	[tilespmem:s19+$0xC810] =	vst v4  }
0x61: {  	[tilespmem:s19+$0xC820] =	vst v2  }
0x62: {  	s17 =	sadd.s32 $0x1, s17  }
0x63: {  	p0 =	sne.s32 s17, s6  }
.Ltmp5:
0x64: {  	_ = 	snop;
	(pc) =	sbr.rel @p0 .LBB2_1-.Ltmp5, $4  }
0x65: {  	[hbm4b:s5+s2] =	stream.linear.scatter [tilespmem:s16], [sflag:$0x3], $0x2000, $0x38;
	[tilespmem:$0xE800] =	vst v63  }
0x66: {  	_ =	swait.ge [sflag:s7], $0x2000  }
0x67: {  	[sflag:s7] =	ssyncset.done $0x0  }
0x68: {  	[sflag:s7] =	ssyncadd.s32 $0xFFFFE000  }
0x69: {  	_ =	sfence.sel $0x180000  }
0x6a: {  	[bflag:$0x0] =	sbarrier.arrive $0xFFFF  }
0x6b: {  	p0 =	sne.s32 s1, $0x0;
	_ =	strace $0x90000047  }
0x6c: {  	s0 =	sadd.s32 @!p0 $0x100000, s0;
	[bflag:$0x2] =	sbarrier.arrive $0xFFFF  }
0x6d: {  	[sflag:s0] =	ssyncadd.tile.s32 @!p0 $0x1;
	_ =	shalt  }
.Lfunc_end2:
_tile_overlayer_lowered:
.L_overlay_start_2:
0x6e: {  	(tag) =	ssettag $0x2  }
0x6f: {  	s0 =	rddreg [dreg:$0x0];
	s2 =	stileid.u32  }
0x70: {  	s1 =	rddreg [dreg:$0x1];
	p0 =	sne.s32 s2, $0x0  }
0x71: {  	s3 =	rddreg [dreg:$0x2];
	[bflag:$0x3] =	sbarrier.arrive $0xFFFF;
	s2 =	simm.s32 @!p0 $0x1C03  }
0x72: {  	[timem:s3], [sflag:s2] =	dma.local @!p0 [hbm:s0], s1  }
0x73: {  	s0 =	simm.s32 @!p0 $0x3  }
0x74: {  	_ =	swait.ge @!p0 [sflag:s0], s1  }
0x75: {  	s1 =	ssub.s32 @!p0 $0x0, s1;
	[sflag:s0] =	ssyncset.done @!p0 $0x0  }
0x76: {  	[sflag:s0] =	ssyncadd.s32 @!p0 s1  }
0x77: {  	[bflag:$0x3] =	sbarrier.arrive $0xFFFF  }
0x78: {  	_ =	shalt  }

</sc_bundles>
